<compile_context>
chip_gen: v7x
topology: tpu7x:2x2x1
jax: 0.10.2.dev20260603
libtpu: 0.0.44.dev20260713+nightly
codegen_flags: <defaults>
</compile_context>

<pallas_src>
import jax
import jax.numpy as jnp
from jax import lax
from jax.experimental import pallas as pl
from jax.experimental.pallas import tpu as pltpu
from jax.experimental.pallas import tpu_sc as plsc

NUM_USERS = 100000
EMBED = 128
N_NODES = 10000
DEG = 32

NC, NS = 2, 16
NW = NC * NS

N_SLICES = 1
NS_NODES = N_NODES // N_SLICES

E_ROWS = NS_NODES * DEG
E_PER_W = E_ROWS // NW
CHUNK = 200
N_CHUNKS = E_PER_W // CHUNK
NBUF = 4

U_PAD = 10240
U_PER_W = U_PAD // NW


def _sc_gather_body(neigh_hbm, node_hbm, table_hbm,
                    e_out_hbm, u_out_hbm,
                    idx_all, rows2, gsem, wsem):
    wid = lax.axis_index("s") * NC + lax.axis_index("c")
    ebase = wid * E_PER_W

    pltpu.sync_copy(neigh_hbm.at[pl.ds(ebase, E_PER_W)], idx_all)

    def start_gather(i, b):
        pltpu.async_copy(
            table_hbm.at[idx_all.at[pl.ds(i * CHUNK, CHUNK)]],
            rows2.at[b], gsem.at[b])

    def gather_wait(b):
        pltpu.make_async_copy(
            table_hbm.at[idx_all.at[pl.ds(0, CHUNK)]],
            rows2.at[b], gsem.at[b]).wait()

    def start_write(i, b):
        pltpu.async_copy(rows2.at[b],
                         e_out_hbm.at[pl.ds(ebase + i * CHUNK, CHUNK)],
                         wsem.at[b])

    def write_wait(b):
        pltpu.make_async_copy(
            rows2.at[b], e_out_hbm.at[pl.ds(ebase, CHUNK)],
            wsem.at[b]).wait()

    start_gather(0, 0)
    start_gather(1, 1)

    def chunk(i, _):
        b = lax.rem(i, NBUF)
        gather_wait(b)
        start_write(i, b)

        @pl.when(i + 2 < N_CHUNKS)
        def _():
            nb = lax.rem(i + 2, NBUF)
            @pl.when(i >= 2)
            def _():
                write_wait(nb)
            start_gather(i + 2, nb)

        return 0

    lax.fori_loop(0, N_CHUNKS, chunk, 0)
    write_wait(lax.rem(N_CHUNKS - 2, NBUF))
    write_wait(lax.rem(N_CHUNKS - 1, NBUF))

    ubase = wid * U_PER_W
    idx_u = idx_all.at[pl.ds(0, U_PER_W)]
    rows_u = rows2.at[0].at[pl.ds(0, U_PER_W)]
    pltpu.sync_copy(node_hbm.at[pl.ds(ubase, U_PER_W)], idx_u)
    pltpu.async_copy(table_hbm.at[idx_u], rows_u, gsem.at[0]).wait()
    pltpu.sync_copy(rows_u, u_out_hbm.at[pl.ds(ubase, U_PER_W)])


@jax.jit
def _sc_gather(neigh_flat, nodes_pad, table):
    mesh = plsc.VectorSubcoreMesh(core_axis_name="c", subcore_axis_name="s")
    return pl.kernel(
        _sc_gather_body,
        out_type=(
            jax.ShapeDtypeStruct((E_ROWS, EMBED), jnp.float32),
            jax.ShapeDtypeStruct((U_PAD, EMBED), jnp.float32),
        ),
        mesh=mesh,
        scratch_types=[
            pltpu.VMEM((E_PER_W,), jnp.int32),
            pltpu.VMEM((NBUF, CHUNK, EMBED), jnp.float32),
            pltpu.SemaphoreType.DMA((NBUF,)),
            pltpu.SemaphoreType.DMA((NBUF,)),
        ],
    )(neigh_flat, nodes_pad, table)


T = 400


def _tc_mlp_body(e_ref, u_ref, w1a_ref, w1b_ref, b1_ref, w2_ref, b2_ref,
                 w3b_ref, out_ref):
    e3 = e_ref[...]
    e2 = e3.reshape(DEG * T, EMBED).astype(jnp.bfloat16)
    u1 = jnp.dot(u_ref[...], w1b_ref[...],
                 preferred_element_type=jnp.float32) + b1_ref[...]
    x = jnp.dot(e2, w1a_ref[...], preferred_element_type=jnp.float32)
    x = jnp.maximum(x.reshape(DEG, T, EMBED) + u1[None, :, :], 0.0)
    xb = x.reshape(DEG * T, EMBED).astype(jnp.bfloat16)
    x2 = jnp.dot(xb, w2_ref[...], preferred_element_type=jnp.float32)
    x2 = jnp.maximum(x2 + b2_ref[...], 0.0).astype(jnp.bfloat16)
    p = jnp.exp(jnp.dot(x2, w3b_ref[...],
                        preferred_element_type=jnp.float32))
    p3 = p.reshape(DEG, T, EMBED)
    den = jnp.sum(p3, axis=0)
    num = jnp.sum(p3 * e3, axis=0)
    out_ref[...] = num / den


@jax.jit
def _tc_mlp(e3, u_rep, w1a, w1b, b1, w2, b2, w3b):
    grid = (NS_NODES // T,)
    full = lambda shape: pl.BlockSpec(shape, lambda i: (0,) * len(shape))
    return pl.pallas_call(
        _tc_mlp_body,
        grid=grid,
        in_specs=[
            pl.BlockSpec((DEG, T, EMBED), lambda i: (0, i, 0)),
            pl.BlockSpec((T, EMBED), lambda i: (i, 0)),
            full((EMBED, EMBED)),
            full((EMBED, EMBED)),
            full((1, EMBED)),
            full((EMBED, EMBED)),
            full((1, EMBED)),
            full((EMBED, EMBED)),
        ],
        out_specs=pl.BlockSpec((T, EMBED), lambda i: (i, 0)),
        out_shape=jax.ShapeDtypeStruct((NS_NODES, EMBED), jnp.float32),
        compiler_params=pltpu.CompilerParams(
            dimension_semantics=("parallel",)),
    )(e3, u_rep, w1a, w1b, b1, w2, b2, w3b)


def kernel(nodes, to_neighs, u2e_weight, W1, b1, W2, b2, W3, b3):
    w1a = W1[:EMBED].astype(jnp.bfloat16)
    w1b = W1[EMBED:]
    b1r = b1.reshape(1, EMBED)
    w2 = W2.astype(jnp.bfloat16)
    b2r = b2.reshape(1, EMBED)
    w3b = jnp.broadcast_to(W3, (EMBED, EMBED)).astype(jnp.bfloat16)

    outs = []
    for s in range(N_SLICES):
        lo = s * NS_NODES
        neigh_flat = to_neighs[lo:lo + NS_NODES].T.reshape(E_ROWS)
        nodes_pad = jnp.concatenate(
            [nodes[lo:lo + NS_NODES],
             jnp.zeros((U_PAD - NS_NODES,), jnp.int32)])
        e_gath, u_gath = _sc_gather(neigh_flat, nodes_pad, u2e_weight)
        outs.append(_tc_mlp(
            e_gath.reshape(DEG, NS_NODES, EMBED),
            u_gath,
            w1a, w1b, b1r, w2, b2r, w3b,
        ))
    return jnp.concatenate(outs, axis=0)

# --- scband reference (transcript-rebuilt; emitter-appended) ---
"""Pipeline reference for scband-social-aggregator-30039001268869 (READ-ONLY COPY).

The authoritative reference and input builder live on the scoring server;
editing this copy changes nothing except your own understanding.
"""

import jax, jax.numpy as jnp
import numpy as np

NUM_USERS = 100000
EMBED = 128
N_NODES = 10000
DEG = 32

def setup_inputs(seed: int = 0) -> dict:
    key = jax.random.key(seed)
    ks = jax.random.split(key, 9)
    nodes = jax.random.randint(ks[0], (N_NODES,), 0, NUM_USERS, dtype=jnp.int64 if jax.config.jax_enable_x64 else jnp.int32).astype(jnp.int32)
    to_neighs = jax.random.randint(ks[1], (N_NODES, DEG), 0, NUM_USERS).astype(jnp.int32)
    u2e_weight = jax.random.normal(ks[2], (NUM_USERS, EMBED), dtype=jnp.float32) * 0.05
    W1 = jax.random.normal(ks[3], (2 * EMBED, EMBED), dtype=jnp.float32) * 0.05
    b1 = jnp.zeros((EMBED,), dtype=jnp.float32)
    W2 = jax.random.normal(ks[4], (EMBED, EMBED), dtype=jnp.float32) * 0.05
    b2 = jnp.zeros((EMBED,), dtype=jnp.float32)
    W3 = jax.random.normal(ks[5], (EMBED, 1), dtype=jnp.float32) * 0.05
    b3 = jnp.zeros((1,), dtype=jnp.float32)
    return {"nodes": nodes, "to_neighs": to_neighs, "u2e_weight": u2e_weight,
            "W1": W1, "b1": b1, "W2": W2, "b2": b2, "W3": W3, "b3": b3}

def reference(nodes, to_neighs, u2e_weight, W1, b1, W2, b2, W3, b3):
    # Gather neighbor embeddings: e_u = u2e.weight[list(tmp_adj)] for each node, vectorized
    e_u = jnp.take(u2e_weight, to_neighs, axis=0)          # [N, DEG, E]
    u_rep = jnp.take(u2e_weight, nodes, axis=0)            # [N, E]
    # Attention MLP (GraphRec Attention): cat(neigh, u_rep.repeat) -> relu(att1) -> relu(att2) -> att3 -> softmax over neighbors
    uv = jnp.broadcast_to(u_rep[:, None, :], e_u.shape)    # [N, DEG, E]
    x = jnp.concatenate([e_u, uv], axis=-1)                # [N, DEG, 2E]
    x = jax.nn.relu(x @ W1 + b1)                           # dropout is identity in eval mode
    x = jax.nn.relu(x @ W2 + b2)
    x = x @ W3 + b3                                        # [N, DEG, 1]
    att = jax.nn.softmax(x, axis=1)                        # softmax over neighbors (dim 0 per node)
    # att_history = (e_u.T @ att_w).T  == weighted sum of neighbor embeddings
    out = jnp.sum(e_u * att, axis=1)                       # [N, E]
    return out

if __name__ == "__main__":
    import jax
    _d = setup_inputs()
    print(jax.jit(kernel)(*tuple(_d.values())))

</pallas_src>

<mosaic_0001>
#map = affine_map<(d0, d1) -> (0)>
#map1 = affine_map<(d0, d1) -> (0, 0)>
module attributes {stable_mosaic.version = 14 : i64} {
  func.func @_sc_gather_body(%arg0: i32, %arg1: i32, %arg2: memref<320000xi32, #tpu.memory_space<hbm>>, %arg3: memref<10240xi32, #tpu.memory_space<hbm>>, %arg4: memref<100000x128xf32, #tpu.memory_space<hbm>>, %arg5: memref<320000x128xf32, #tpu.memory_space<hbm>>, %arg6: memref<10240x128xf32, #tpu.memory_space<hbm>>, %arg7: memref<10000xi32, #tpu.memory_space<vmem>>, %arg8: memref<4x200x128xf32, #tpu.memory_space<vmem>>, %arg9: memref<4x!tpu.dma_semaphore, #tpu.memory_space<semaphore_mem>>, %arg10: memref<4x!tpu.dma_semaphore, #tpu.memory_space<semaphore_mem>>) attributes {dimension_semantics = [#tpu.dimension_semantics<core_parallel>, #tpu.dimension_semantics<subcore_parallel>], iteration_bounds = array<i64: 2, 16>, scalar_prefetch = 0 : i64, scratch_operands = 4 : i64, tpu.core_type = #tpu.core_type<sc_vector_subcore>, window_params = [{transform_indices = #map}, {transform_indices = #map}, {transform_indices = #map1}, {transform_indices = #map1}, {transform_indices = #map1}]} {
    %mul3A = arith.constant 2 : i32
    %mul3A_0 = arith.muli %arg1, %mul3A : i32
    %add3A = arith.addi %mul3A_0, %arg0 : i32
    %mul3A_1 = arith.constant 10000 : i32
    %mul3A_2 = arith.muli %add3A, %mul3A_1 : i32
    "tpu.region"() ({
      %run_scoped3A_100 = tpu.sem_alloc : memref<!tpu.dma_semaphore, #tpu.memory_space<semaphore_mem>>
      %dma_start3A_101 = tpu.memref_slice %arg2[%mul3A_2] : memref<320000xi32, #tpu.memory_space<hbm>> -> memref<10000xi32, #tpu.memory_space<hbm>>
      %dma_start3A_102 = tpu.memref_slice %arg2[%mul3A_2] : memref<320000xi32, #tpu.memory_space<hbm>> -> memref<10000xi32, #tpu.memory_space<hbm>>
      tpu.enqueue_dma source(%dma_start3A_102 : memref<10000xi32, #tpu.memory_space<hbm>>) target(%arg7 : memref<10000xi32, #tpu.memory_space<vmem>>) target_semaphore(%run_scoped3A_100 : memref<!tpu.dma_semaphore, #tpu.memory_space<semaphore_mem>>)
      %dma_wait3A_103 = tpu.memref_slice %arg2[%mul3A_2] : memref<320000xi32, #tpu.memory_space<hbm>> -> memref<10000xi32, #tpu.memory_space<hbm>>
      %dma_wait3A_104 = tpu.memref_slice %arg2[%mul3A_2] : memref<320000xi32, #tpu.memory_space<hbm>> -> memref<10000xi32, #tpu.memory_space<hbm>>
      tpu.wait_dma2 semaphore(%run_scoped3A_100 : memref<!tpu.dma_semaphore, #tpu.memory_space<semaphore_mem>>) src(%dma_wait3A_104 : memref<10000xi32, #tpu.memory_space<hbm>>) dst(%arg7 : memref<10000xi32, #tpu.memory_space<vmem>>)
      tpu.yield
    }) : () -> ()
    %dma_start3A = arith.constant 0 : i32
    %dma_start3A_3 = arith.constant 0 : i32
    %dma_start3A_4 = arith.constant 0 : i32
    %dma_start3A_5 = arith.constant 0 : i32
    %dma_start3A_6 = tpu.memref_slice %arg8[%dma_start3A, %dma_start3A_4, %dma_start3A_5] : memref<4x200x128xf32, #tpu.memory_space<vmem>> -> memref<1x200x128xf32, #tpu.memory_space<vmem>>
    %dma_start3A_7 = tpu.memref_squeeze %dma_start3A_6 : memref<1x200x128xf32, #tpu.memory_space<vmem>> -> memref<200x128xf32, #tpu.memory_space<vmem>>
    %dma_start3A_8 = arith.constant 0 : i32
    %dma_start3A_9 = tpu.memref_slice %arg7[%dma_start3A_8] : memref<10000xi32, #tpu.memory_space<vmem>> -> memref<200xi32, #tpu.memory_space<vmem>>
    %dma_start3A_10 = arith.constant 0 : i32
    %dma_start3A_11 = arith.constant 0 : i32
    %dma_start3A_12 = tpu.memref_slice %arg4[%dma_start3A_10, %dma_start3A_11] : memref<100000x128xf32, #tpu.memory_space<hbm>> -> memref<100000x128xf32, #tpu.memory_space<hbm>>
    %dma_start3A_13 = tpu.memref_slice %arg9[%dma_start3A_3] : memref<4x!tpu.dma_semaphore, #tpu.memory_space<semaphore_mem>> -> memref<1x!tpu.dma_semaphore, #tpu.memory_space<semaphore_mem>>
    %dma_start3A_14 = tpu.memref_squeeze %dma_start3A_13 : memref<1x!tpu.dma_semaphore, #tpu.memory_space<semaphore_mem>> -> memref<!tpu.dma_semaphore, #tpu.memory_space<semaphore_mem>>
    tpu.enqueue_indirect_dma source(%dma_start3A_12 : memref<100000x128xf32, #tpu.memory_space<hbm>>) target(%dma_start3A_7 : memref<200x128xf32, #tpu.memory_space<vmem>>) offsets(%dma_start3A_9 : memref<200xi32, #tpu.memory_space<vmem>>) semaphore(%dma_start3A_14 : memref<!tpu.dma_semaphore, #tpu.memory_space<semaphore_mem>>)
    %dma_start3A_15 = arith.constant 1 : i32
    %dma_start3A_16 = arith.constant 1 : i32
    %dma_start3A_17 = arith.constant 0 : i32
    %dma_start3A_18 = arith.constant 0 : i32
    %dma_start3A_19 = tpu.memref_slice %arg8[%dma_start3A_15, %dma_start3A_17, %dma_start3A_18] : memref<4x200x128xf32, #tpu.memory_space<vmem>> -> memref<1x200x128xf32, #tpu.memory_space<vmem>>
    %dma_start3A_20 = tpu.memref_squeeze %dma_start3A_19 : memref<1x200x128xf32, #tpu.memory_space<vmem>> -> memref<200x128xf32, #tpu.memory_space<vmem>>
    %dma_start3A_21 = arith.constant 200 : i32
    %dma_start3A_22 = tpu.memref_slice %arg7[%dma_start3A_21] : memref<10000xi32, #tpu.memory_space<vmem>> -> memref<200xi32, #tpu.memory_space<vmem>>
    %dma_start3A_23 = arith.constant 0 : i32
    %dma_start3A_24 = arith.constant 0 : i32
    %dma_start3A_25 = tpu.memref_slice %arg4[%dma_start3A_23, %dma_start3A_24] : memref<100000x128xf32, #tpu.memory_space<hbm>> -> memref<100000x128xf32, #tpu.memory_space<hbm>>
    %dma_start3A_26 = tpu.memref_slice %arg9[%dma_start3A_16] : memref<4x!tpu.dma_semaphore, #tpu.memory_space<semaphore_mem>> -> memref<1x!tpu.dma_semaphore, #tpu.memory_space<semaphore_mem>>
    %dma_start3A_27 = tpu.memref_squeeze %dma_start3A_26 : memref<1x!tpu.dma_semaphore, #tpu.memory_space<semaphore_mem>> -> memref<!tpu.dma_semaphore, #tpu.memory_space<semaphore_mem>>
    tpu.enqueue_indirect_dma source(%dma_start3A_25 : memref<100000x128xf32, #tpu.memory_space<hbm>>) target(%dma_start3A_20 : memref<200x128xf32, #tpu.memory_space<vmem>>) offsets(%dma_start3A_22 : memref<200xi32, #tpu.memory_space<vmem>>) semaphore(%dma_start3A_27 : memref<!tpu.dma_semaphore, #tpu.memory_space<semaphore_mem>>)
    %scan3A = arith.constant 0 : i32
    %scan3A_28 = arith.constant 0 : i32
    %scan3A_29 = arith.constant 50 : i32
    %scan3A_30 = arith.addi %scan3A_28, %scan3A_29 : i32
    %scan3A_31 = arith.constant 1 : i32
    %scan3A_32 = scf.for %scan3A_100 = %scan3A_28 to %scan3A_30 step %scan3A_31 iter_args(%scan3A_101 = %scan3A) -> (i32)  : i32 {
      %rem3A_102 = arith.constant 4 : i32
      %rem3A_103 = arith.remsi %scan3A_100, %rem3A_102 : i32
      %dma_wait3A_104 = arith.constant 0 : i32
      %dma_wait3A_105 = arith.constant 0 : i32
      %dma_wait3A_106 = tpu.memref_slice %arg8[%rem3A_103, %dma_wait3A_104, %dma_wait3A_105] : memref<4x200x128xf32, #tpu.memory_space<vmem>> -> memref<1x200x128xf32, #tpu.memory_space<vmem>>
      %dma_wait3A_107 = tpu.memref_squeeze %dma_wait3A_106 : memref<1x200x128xf32, #tpu.memory_space<vmem>> -> memref<200x128xf32, #tpu.memory_space<vmem>>
      %dma_wait3A_108 = arith.constant 0 : i32
      %dma_wait3A_109 = tpu.memref_slice %arg7[%dma_wait3A_108] : memref<10000xi32, #tpu.memory_space<vmem>> -> memref<200xi32, #tpu.memory_space<vmem>>
      %dma_wait3A_110 = arith.constant 0 : i32
      %dma_wait3A_111 = arith.constant 0 : i32
      %dma_wait3A_112 = tpu.memref_slice %arg4[%dma_wait3A_110, %dma_wait3A_111] : memref<100000x128xf32, #tpu.memory_space<hbm>> -> memref<100000x128xf32, #tpu.memory_space<hbm>>
      %dma_wait3A_113 = tpu.memref_slice %arg9[%rem3A_103] : memref<4x!tpu.dma_semaphore, #tpu.memory_space<semaphore_mem>> -> memref<1x!tpu.dma_semaphore, #tpu.memory_space<semaphore_mem>>
      %dma_wait3A_114 = tpu.memref_squeeze %dma_wait3A_113 : memref<1x!tpu.dma_semaphore, #tpu.memory_space<semaphore_mem>> -> memref<!tpu.dma_semaphore, #tpu.memory_space<semaphore_mem>>
      tpu.wait_indirect_dma semaphore(%dma_wait3A_114 : memref<!tpu.dma_semaphore, #tpu.memory_space<semaphore_mem>>) src(%dma_wait3A_112 : memref<100000x128xf32, #tpu.memory_space<hbm>>) dst(%dma_wait3A_107 : memref<200x128xf32, #tpu.memory_space<vmem>>)
      %mul3A_115 = arith.constant 200 : i32
      %mul3A_116 = arith.muli %scan3A_100, %mul3A_115 : i32
      %add3A_117 = arith.addi %mul3A_2, %mul3A_116 : i32
      %dma_start3A_118 = arith.constant 0 : i32
      %dma_start3A_119 = arith.constant 0 : i32
      %dma_start3A_120 = tpu.memref_slice %arg8[%rem3A_103, %dma_start3A_118, %dma_start3A_119] : memref<4x200x128xf32, #tpu.memory_space<vmem>> -> memref<1x200x128xf32, #tpu.memory_space<vmem>>
      %dma_start3A_121 = tpu.memref_squeeze %dma_start3A_120 : memref<1x200x128xf32, #tpu.memory_space<vmem>> -> memref<200x128xf32, #tpu.memory_space<vmem>>
      %dma_start3A_122 = arith.constant 0 : i32
      %dma_start3A_123 = tpu.memref_slice %arg5[%add3A_117, %dma_start3A_122] : memref<320000x128xf32, #tpu.memory_space<hbm>> -> memref<200x128xf32, #tpu.memory_space<hbm>>
      %dma_start3A_124 = tpu.memref_slice %arg10[%rem3A_103] : memref<4x!tpu.dma_semaphore, #tpu.memory_space<semaphore_mem>> -> memref<1x!tpu.dma_semaphore, #tpu.memory_space<semaphore_mem>>
      %dma_start3A_125 = tpu.memref_squeeze %dma_start3A_124 : memref<1x!tpu.dma_semaphore, #tpu.memory_space<semaphore_mem>> -> memref<!tpu.dma_semaphore, #tpu.memory_space<semaphore_mem>>
      %dma_start3A_126 = arith.constant 0 : i32
      %dma_start3A_127 = tpu.memref_slice %arg5[%add3A_117, %dma_start3A_126] : memref<320000x128xf32, #tpu.memory_space<hbm>> -> memref<200x128xf32, #tpu.memory_space<hbm>>
      %dma_start3A_128 = arith.constant 0 : i32
      %dma_start3A_129 = arith.constant 0 : i32
      %dma_start3A_130 = tpu.memref_slice %arg8[%rem3A_103, %dma_start3A_128, %dma_start3A_129] : memref<4x200x128xf32, #tpu.memory_space<vmem>> -> memref<1x200x128xf32, #tpu.memory_space<vmem>>
      %dma_start3A_131 = tpu.memref_squeeze %dma_start3A_130 : memref<1x200x128xf32, #tpu.memory_space<vmem>> -> memref<200x128xf32, #tpu.memory_space<vmem>>
      tpu.enqueue_dma source(%dma_start3A_131 : memref<200x128xf32, #tpu.memory_space<vmem>>) target(%dma_start3A_127 : memref<200x128xf32, #tpu.memory_space<hbm>>) target_semaphore(%dma_start3A_125 : memref<!tpu.dma_semaphore, #tpu.memory_space<semaphore_mem>>)
      %add3A_132 = arith.constant 2 : i32
      %add3A_133 = arith.addi %scan3A_100, %add3A_132 : i32
      %lt3A = arith.constant 50 : i32
      %lt3A_134 = arith.cmpi slt, %add3A_133, %lt3A : i32
      %convert_element_type3A = arith.extui %lt3A_134 : i1 to i32
      %cond3A = arith.constant 0 : i32
      %cond3A_135 = arith.cmpi ne, %convert_element_type3A, %cond3A : i32
      scf.if %cond3A_135 {
        %add3A_137 = arith.constant 2 : i32
        %add3A_138 = arith.addi %scan3A_100, %add3A_137 : i32
        %rem3A_139 = arith.constant 4 : i32
        %rem3A_140 = arith.remsi %add3A_138, %rem3A_139 : i32
        %ge3A = arith.constant 2 : i32
        %ge3A_141 = arith.cmpi sge, %scan3A_100, %ge3A : i32
        %convert_element_type3A_142 = arith.extui %ge3A_141 : i1 to i32
        %cond3A_143 = arith.constant 0 : i32
        %cond3A_144 = arith.cmpi ne, %convert_element_type3A_142, %cond3A_143 : i32
        scf.if %cond3A_144 {
          %dma_wait3A_159 = arith.constant 0 : i32
          %dma_wait3A_160 = arith.constant 0 : i32
          %dma_wait3A_161 = tpu.memref_slice %arg8[%rem3A_140, %dma_wait3A_159, %dma_wait3A_160] : memref<4x200x128xf32, #tpu.memory_space<vmem>> -> memref<1x200x128xf32, #tpu.memory_space<vmem>>
          %dma_wait3A_162 = tpu.memref_squeeze %dma_wait3A_161 : memref<1x200x128xf32, #tpu.memory_space<vmem>> -> memref<200x128xf32, #tpu.memory_space<vmem>>
          %dma_wait3A_163 = arith.constant 0 : i32
          %dma_wait3A_164 = tpu.memref_slice %arg5[%mul3A_2, %dma_wait3A_163] : memref<320000x128xf32, #tpu.memory_space<hbm>> -> memref<200x128xf32, #tpu.memory_space<hbm>>
          %dma_wait3A_165 = tpu.memref_slice %arg10[%rem3A_140] : memref<4x!tpu.dma_semaphore, #tpu.memory_space<semaphore_mem>> -> memref<1x!tpu.dma_semaphore, #tpu.memory_space<semaphore_mem>>
          %dma_wait3A_166 = tpu.memref_squeeze %dma_wait3A_165 : memref<1x!tpu.dma_semaphore, #tpu.memory_space<semaphore_mem>> -> memref<!tpu.dma_semaphore, #tpu.memory_space<semaphore_mem>>
          %dma_wait3A_167 = arith.constant 0 : i32
          %dma_wait3A_168 = tpu.memref_slice %arg5[%mul3A_2, %dma_wait3A_167] : memref<320000x128xf32, #tpu.memory_space<hbm>> -> memref<200x128xf32, #tpu.memory_space<hbm>>
          %dma_wait3A_169 = arith.constant 0 : i32
          %dma_wait3A_170 = arith.constant 0 : i32
          %dma_wait3A_171 = tpu.memref_slice %arg8[%rem3A_140, %dma_wait3A_169, %dma_wait3A_170] : memref<4x200x128xf32, #tpu.memory_space<vmem>> -> memref<1x200x128xf32, #tpu.memory_space<vmem>>
          %dma_wait3A_172 = tpu.memref_squeeze %dma_wait3A_171 : memref<1x200x128xf32, #tpu.memory_space<vmem>> -> memref<200x128xf32, #tpu.memory_space<vmem>>
          tpu.wait_dma2 semaphore(%dma_wait3A_166 : memref<!tpu.dma_semaphore, #tpu.memory_space<semaphore_mem>>) src(%dma_wait3A_172 : memref<200x128xf32, #tpu.memory_space<vmem>>) dst(%dma_wait3A_168 : memref<200x128xf32, #tpu.memory_space<hbm>>)
        } else {
        }
        %add3A_145 = arith.constant 2 : i32
        %add3A_146 = arith.addi %scan3A_100, %add3A_145 : i32
        %mul3A_147 = arith.constant 200 : i32
        %mul3A_148 = arith.muli %add3A_146, %mul3A_147 : i32
        %dma_start3A_149 = arith.constant 0 : i32
        %dma_start3A_150 = arith.constant 0 : i32
        %dma_start3A_151 = tpu.memref_slice %arg8[%rem3A_140, %dma_start3A_149, %dma_start3A_150] : memref<4x200x128xf32, #tpu.memory_space<vmem>> -> memref<1x200x128xf32, #tpu.memory_space<vmem>>
        %dma_start3A_152 = tpu.memref_squeeze %dma_start3A_151 : memref<1x200x128xf32, #tpu.memory_space<vmem>> -> memref<200x128xf32, #tpu.memory_space<vmem>>
        %dma_start3A_153 = tpu.memref_slice %arg7[%mul3A_148] : memref<10000xi32, #tpu.memory_space<vmem>> -> memref<200xi32, #tpu.memory_space<vmem>>
        %dma_start3A_154 = arith.constant 0 : i32
        %dma_start3A_155 = arith.constant 0 : i32
        %dma_start3A_156 = tpu.memref_slice %arg4[%dma_start3A_154, %dma_start3A_155] : memref<100000x128xf32, #tpu.memory_space<hbm>> -> memref<100000x128xf32, #tpu.memory_space<hbm>>
        %dma_start3A_157 = tpu.memref_slice %arg9[%rem3A_140] : memref<4x!tpu.dma_semaphore, #tpu.memory_space<semaphore_mem>> -> memref<1x!tpu.dma_semaphore, #tpu.memory_space<semaphore_mem>>
        %dma_start3A_158 = tpu.memref_squeeze %dma_start3A_157 : memref<1x!tpu.dma_semaphore, #tpu.memory_space<semaphore_mem>> -> memref<!tpu.dma_semaphore, #tpu.memory_space<semaphore_mem>>
        tpu.enqueue_indirect_dma source(%dma_start3A_156 : memref<100000x128xf32, #tpu.memory_space<hbm>>) target(%dma_start3A_152 : memref<200x128xf32, #tpu.memory_space<vmem>>) offsets(%dma_start3A_153 : memref<200xi32, #tpu.memory_space<vmem>>) semaphore(%dma_start3A_158 : memref<!tpu.dma_semaphore, #tpu.memory_space<semaphore_mem>>)
      } else {
      }
      %scan3A_136 = arith.constant 0 : i32
      scf.yield %scan3A_136 : i32
    }
    %scan3A_33 = arith.constant 50 : i32
    %rem3A = arith.constant 48 : i32
    %rem3A_34 = arith.constant 4 : i32
    %rem3A_35 = arith.remsi %rem3A, %rem3A_34 : i32
    %dma_wait3A = arith.constant 0 : i32
    %dma_wait3A_36 = arith.constant 0 : i32
    %dma_wait3A_37 = tpu.memref_slice %arg8[%rem3A_35, %dma_wait3A, %dma_wait3A_36] : memref<4x200x128xf32, #tpu.memory_space<vmem>> -> memref<1x200x128xf32, #tpu.memory_space<vmem>>
    %dma_wait3A_38 = tpu.memref_squeeze %dma_wait3A_37 : memref<1x200x128xf32, #tpu.memory_space<vmem>> -> memref<200x128xf32, #tpu.memory_space<vmem>>
    %dma_wait3A_39 = arith.constant 0 : i32
    %dma_wait3A_40 = tpu.memref_slice %arg5[%mul3A_2, %dma_wait3A_39] : memref<320000x128xf32, #tpu.memory_space<hbm>> -> memref<200x128xf32, #tpu.memory_space<hbm>>
    %dma_wait3A_41 = tpu.memref_slice %arg10[%rem3A_35] : memref<4x!tpu.dma_semaphore, #tpu.memory_space<semaphore_mem>> -> memref<1x!tpu.dma_semaphore, #tpu.memory_space<semaphore_mem>>
    %dma_wait3A_42 = tpu.memref_squeeze %dma_wait3A_41 : memref<1x!tpu.dma_semaphore, #tpu.memory_space<semaphore_mem>> -> memref<!tpu.dma_semaphore, #tpu.memory_space<semaphore_mem>>
    %dma_wait3A_43 = arith.constant 0 : i32
    %dma_wait3A_44 = tpu.memref_slice %arg5[%mul3A_2, %dma_wait3A_43] : memref<320000x128xf32, #tpu.memory_space<hbm>> -> memref<200x128xf32, #tpu.memory_space<hbm>>
    %dma_wait3A_45 = arith.constant 0 : i32
    %dma_wait3A_46 = arith.constant 0 : i32
    %dma_wait3A_47 = tpu.memref_slice %arg8[%rem3A_35, %dma_wait3A_45, %dma_wait3A_46] : memref<4x200x128xf32, #tpu.memory_space<vmem>> -> memref<1x200x128xf32, #tpu.memory_space<vmem>>
    %dma_wait3A_48 = tpu.memref_squeeze %dma_wait3A_47 : memref<1x200x128xf32, #tpu.memory_space<vmem>> -> memref<200x128xf32, #tpu.memory_space<vmem>>
    tpu.wait_dma2 semaphore(%dma_wait3A_42 : memref<!tpu.dma_semaphore, #tpu.memory_space<semaphore_mem>>) src(%dma_wait3A_48 : memref<200x128xf32, #tpu.memory_space<vmem>>) dst(%dma_wait3A_44 : memref<200x128xf32, #tpu.memory_space<hbm>>)
    %rem3A_49 = arith.constant 49 : i32
    %rem3A_50 = arith.constant 4 : i32
    %rem3A_51 = arith.remsi %rem3A_49, %rem3A_50 : i32
    %dma_wait3A_52 = arith.constant 0 : i32
    %dma_wait3A_53 = arith.constant 0 : i32
    %dma_wait3A_54 = tpu.memref_slice %arg8[%rem3A_51, %dma_wait3A_52, %dma_wait3A_53] : memref<4x200x128xf32, #tpu.memory_space<vmem>> -> memref<1x200x128xf32, #tpu.memory_space<vmem>>
    %dma_wait3A_55 = tpu.memref_squeeze %dma_wait3A_54 : memref<1x200x128xf32, #tpu.memory_space<vmem>> -> memref<200x128xf32, #tpu.memory_space<vmem>>
    %dma_wait3A_56 = arith.constant 0 : i32
    %dma_wait3A_57 = tpu.memref_slice %arg5[%mul3A_2, %dma_wait3A_56] : memref<320000x128xf32, #tpu.memory_space<hbm>> -> memref<200x128xf32, #tpu.memory_space<hbm>>
    %dma_wait3A_58 = tpu.memref_slice %arg10[%rem3A_51] : memref<4x!tpu.dma_semaphore, #tpu.memory_space<semaphore_mem>> -> memref<1x!tpu.dma_semaphore, #tpu.memory_space<semaphore_mem>>
    %dma_wait3A_59 = tpu.memref_squeeze %dma_wait3A_58 : memref<1x!tpu.dma_semaphore, #tpu.memory_space<semaphore_mem>> -> memref<!tpu.dma_semaphore, #tpu.memory_space<semaphore_mem>>
    %dma_wait3A_60 = arith.constant 0 : i32
    %dma_wait3A_61 = tpu.memref_slice %arg5[%mul3A_2, %dma_wait3A_60] : memref<320000x128xf32, #tpu.memory_space<hbm>> -> memref<200x128xf32, #tpu.memory_space<hbm>>
    %dma_wait3A_62 = arith.constant 0 : i32
    %dma_wait3A_63 = arith.constant 0 : i32
    %dma_wait3A_64 = tpu.memref_slice %arg8[%rem3A_51, %dma_wait3A_62, %dma_wait3A_63] : memref<4x200x128xf32, #tpu.memory_space<vmem>> -> memref<1x200x128xf32, #tpu.memory_space<vmem>>
    %dma_wait3A_65 = tpu.memref_squeeze %dma_wait3A_64 : memref<1x200x128xf32, #tpu.memory_space<vmem>> -> memref<200x128xf32, #tpu.memory_space<vmem>>
    tpu.wait_dma2 semaphore(%dma_wait3A_59 : memref<!tpu.dma_semaphore, #tpu.memory_space<semaphore_mem>>) src(%dma_wait3A_65 : memref<200x128xf32, #tpu.memory_space<vmem>>) dst(%dma_wait3A_61 : memref<200x128xf32, #tpu.memory_space<hbm>>)
    %mul3A_66 = arith.constant 320 : i32
    %mul3A_67 = arith.muli %add3A, %mul3A_66 : i32
    "tpu.region"() ({
      %run_scoped3A_100 = tpu.sem_alloc : memref<!tpu.dma_semaphore, #tpu.memory_space<semaphore_mem>>
      %dma_start3A_101 = arith.constant 0 : i32
      %dma_start3A_102 = tpu.memref_slice %arg7[%dma_start3A_101] : memref<10000xi32, #tpu.memory_space<vmem>> -> memref<320xi32, #tpu.memory_space<vmem>>
      %dma_start3A_103 = tpu.memref_slice %arg3[%mul3A_67] : memref<10240xi32, #tpu.memory_space<hbm>> -> memref<320xi32, #tpu.memory_space<hbm>>
      %dma_start3A_104 = arith.constant 0 : i32
      %dma_start3A_105 = tpu.memref_slice %arg7[%dma_start3A_104] : memref<10000xi32, #tpu.memory_space<vmem>> -> memref<320xi32, #tpu.memory_space<vmem>>
      %dma_start3A_106 = tpu.memref_slice %arg3[%mul3A_67] : memref<10240xi32, #tpu.memory_space<hbm>> -> memref<320xi32, #tpu.memory_space<hbm>>
      tpu.enqueue_dma source(%dma_start3A_106 : memref<320xi32, #tpu.memory_space<hbm>>) target(%dma_start3A_105 : memref<320xi32, #tpu.memory_space<vmem>>) target_semaphore(%run_scoped3A_100 : memref<!tpu.dma_semaphore, #tpu.memory_space<semaphore_mem>>)
      %dma_wait3A_107 = arith.constant 0 : i32
      %dma_wait3A_108 = tpu.memref_slice %arg7[%dma_wait3A_107] : memref<10000xi32, #tpu.memory_space<vmem>> -> memref<320xi32, #tpu.memory_space<vmem>>
      %dma_wait3A_109 = tpu.memref_slice %arg3[%mul3A_67] : memref<10240xi32, #tpu.memory_space<hbm>> -> memref<320xi32, #tpu.memory_space<hbm>>
      %dma_wait3A_110 = arith.constant 0 : i32
      %dma_wait3A_111 = tpu.memref_slice %arg7[%dma_wait3A_110] : memref<10000xi32, #tpu.memory_space<vmem>> -> memref<320xi32, #tpu.memory_space<vmem>>
      %dma_wait3A_112 = tpu.memref_slice %arg3[%mul3A_67] : memref<10240xi32, #tpu.memory_space<hbm>> -> memref<320xi32, #tpu.memory_space<hbm>>
      tpu.wait_dma2 semaphore(%run_scoped3A_100 : memref<!tpu.dma_semaphore, #tpu.memory_space<semaphore_mem>>) src(%dma_wait3A_112 : memref<320xi32, #tpu.memory_space<hbm>>) dst(%dma_wait3A_111 : memref<320xi32, #tpu.memory_space<vmem>>)
      tpu.yield
    }) : () -> ()
    %dma_start3A_68 = arith.constant 0 : i32
    %dma_start3A_69 = arith.constant 0 : i32
    %dma_start3A_70 = arith.constant 0 : i32
    %dma_start3A_71 = arith.constant 0 : i32
    %dma_start3A_72 = tpu.memref_slice %arg8[%dma_start3A_68, %dma_start3A_70, %dma_start3A_71] : memref<4x200x128xf32, #tpu.memory_space<vmem>> -> memref<1x200x128xf32, #tpu.memory_space<vmem>>
    %dma_start3A_73 = tpu.memref_squeeze %dma_start3A_72 : memref<1x200x128xf32, #tpu.memory_space<vmem>> -> memref<200x128xf32, #tpu.memory_space<vmem>>
    %dma_start3A_74 = arith.constant 0 : i32
    %dma_start3A_75 = arith.constant 0 : i32
    %dma_start3A_76 = tpu.memref_slice %dma_start3A_73[%dma_start3A_74, %dma_start3A_75] : memref<200x128xf32, #tpu.memory_space<vmem>> -> memref<320x128xf32, #tpu.memory_space<vmem>>
    %dma_start3A_77 = arith.constant 0 : i32
    %dma_start3A_78 = tpu.memref_slice %arg7[%dma_start3A_77] : memref<10000xi32, #tpu.memory_space<vmem>> -> memref<320xi32, #tpu.memory_space<vmem>>
    %dma_start3A_79 = arith.constant 0 : i32
    %dma_start3A_80 = arith.constant 0 : i32
    %dma_start3A_81 = tpu.memref_slice %arg4[%dma_start3A_79, %dma_start3A_80] : memref<100000x128xf32, #tpu.memory_space<hbm>> -> memref<100000x128xf32, #tpu.memory_space<hbm>>
    %dma_start3A_82 = tpu.memref_slice %arg9[%dma_start3A_69] : memref<4x!tpu.dma_semaphore, #tpu.memory_space<semaphore_mem>> -> memref<1x!tpu.dma_semaphore, #tpu.memory_space<semaphore_mem>>
    %dma_start3A_83 = tpu.memref_squeeze %dma_start3A_82 : memref<1x!tpu.dma_semaphore, #tpu.memory_space<semaphore_mem>> -> memref<!tpu.dma_semaphore, #tpu.memory_space<semaphore_mem>>
    tpu.enqueue_indirect_dma source(%dma_start3A_81 : memref<100000x128xf32, #tpu.memory_space<hbm>>) target(%dma_start3A_76 : memref<320x128xf32, #tpu.memory_space<vmem>>) offsets(%dma_start3A_78 : memref<320xi32, #tpu.memory_space<vmem>>) semaphore(%dma_start3A_83 : memref<!tpu.dma_semaphore, #tpu.memory_space<semaphore_mem>>)
    %dma_wait3A_84 = arith.constant 0 : i32
    %dma_wait3A_85 = arith.constant 0 : i32
    %dma_wait3A_86 = arith.constant 0 : i32
    %dma_wait3A_87 = arith.constant 0 : i32
    %dma_wait3A_88 = tpu.memref_slice %arg8[%dma_wait3A_84, %dma_wait3A_86, %dma_wait3A_87] : memref<4x200x128xf32, #tpu.memory_space<vmem>> -> memref<1x200x128xf32, #tpu.memory_space<vmem>>
    %dma_wait3A_89 = tpu.memref_squeeze %dma_wait3A_88 : memref<1x200x128xf32, #tpu.memory_space<vmem>> -> memref<200x128xf32, #tpu.memory_space<vmem>>
    %dma_wait3A_90 = arith.constant 0 : i32
    %dma_wait3A_91 = arith.constant 0 : i32
    %dma_wait3A_92 = tpu.memref_slice %dma_wait3A_89[%dma_wait3A_90, %dma_wait3A_91] : memref<200x128xf32, #tpu.memory_space<vmem>> -> memref<320x128xf32, #tpu.memory_space<vmem>>
    %dma_wait3A_93 = arith.constant 0 : i32
    %dma_wait3A_94 = tpu.memref_slice %arg7[%dma_wait3A_93] : memref<10000xi32, #tpu.memory_space<vmem>> -> memref<320xi32, #tpu.memory_space<vmem>>
    %dma_wait3A_95 = arith.constant 0 : i32
    %dma_wait3A_96 = arith.constant 0 : i32
    %dma_wait3A_97 = tpu.memref_slice %arg4[%dma_wait3A_95, %dma_wait3A_96] : memref<100000x128xf32, #tpu.memory_space<hbm>> -> memref<100000x128xf32, #tpu.memory_space<hbm>>
    %dma_wait3A_98 = tpu.memref_slice %arg9[%dma_wait3A_85] : memref<4x!tpu.dma_semaphore, #tpu.memory_space<semaphore_mem>> -> memref<1x!tpu.dma_semaphore, #tpu.memory_space<semaphore_mem>>
    %dma_wait3A_99 = tpu.memref_squeeze %dma_wait3A_98 : memref<1x!tpu.dma_semaphore, #tpu.memory_space<semaphore_mem>> -> memref<!tpu.dma_semaphore, #tpu.memory_space<semaphore_mem>>
    tpu.wait_indirect_dma semaphore(%dma_wait3A_99 : memref<!tpu.dma_semaphore, #tpu.memory_space<semaphore_mem>>) src(%dma_wait3A_97 : memref<100000x128xf32, #tpu.memory_space<hbm>>) dst(%dma_wait3A_92 : memref<320x128xf32, #tpu.memory_space<vmem>>)
    %run_scoped3A = arith.constant 0 : i32
    "tpu.region"() ({
      %run_scoped3A_100 = tpu.sem_alloc : memref<!tpu.dma_semaphore, #tpu.memory_space<semaphore_mem>>
      %dma_start3A_101 = arith.constant 0 : i32
      %dma_start3A_102 = arith.constant 0 : i32
      %dma_start3A_103 = tpu.memref_slice %arg8[%run_scoped3A, %dma_start3A_101, %dma_start3A_102] : memref<4x200x128xf32, #tpu.memory_space<vmem>> -> memref<1x200x128xf32, #tpu.memory_space<vmem>>
      %dma_start3A_104 = tpu.memref_squeeze %dma_start3A_103 : memref<1x200x128xf32, #tpu.memory_space<vmem>> -> memref<200x128xf32, #tpu.memory_space<vmem>>
      %dma_start3A_105 = arith.constant 0 : i32
      %dma_start3A_106 = arith.constant 0 : i32
      %dma_start3A_107 = tpu.memref_slice %dma_start3A_104[%dma_start3A_105, %dma_start3A_106] : memref<200x128xf32, #tpu.memory_space<vmem>> -> memref<320x128xf32, #tpu.memory_space<vmem>>
      %dma_start3A_108 = arith.constant 0 : i32
      %dma_start3A_109 = tpu.memref_slice %arg6[%mul3A_67, %dma_start3A_108] : memref<10240x128xf32, #tpu.memory_space<hbm>> -> memref<320x128xf32, #tpu.memory_space<hbm>>
      %dma_start3A_110 = arith.constant 0 : i32
      %dma_start3A_111 = tpu.memref_slice %arg6[%mul3A_67, %dma_start3A_110] : memref<10240x128xf32, #tpu.memory_space<hbm>> -> memref<320x128xf32, #tpu.memory_space<hbm>>
      %dma_start3A_112 = arith.constant 0 : i32
      %dma_start3A_113 = arith.constant 0 : i32
      %dma_start3A_114 = tpu.memref_slice %arg8[%run_scoped3A, %dma_start3A_112, %dma_start3A_113] : memref<4x200x128xf32, #tpu.memory_space<vmem>> -> memref<1x200x128xf32, #tpu.memory_space<vmem>>
      %dma_start3A_115 = tpu.memref_squeeze %dma_start3A_114 : memref<1x200x128xf32, #tpu.memory_space<vmem>> -> memref<200x128xf32, #tpu.memory_space<vmem>>
      %dma_start3A_116 = arith.constant 0 : i32
      %dma_start3A_117 = arith.constant 0 : i32
      %dma_start3A_118 = tpu.memref_slice %dma_start3A_115[%dma_start3A_116, %dma_start3A_117] : memref<200x128xf32, #tpu.memory_space<vmem>> -> memref<320x128xf32, #tpu.memory_space<vmem>>
      tpu.enqueue_dma source(%dma_start3A_118 : memref<320x128xf32, #tpu.memory_space<vmem>>) target(%dma_start3A_111 : memref<320x128xf32, #tpu.memory_space<hbm>>) target_semaphore(%run_scoped3A_100 : memref<!tpu.dma_semaphore, #tpu.memory_space<semaphore_mem>>)
      %dma_wait3A_119 = arith.constant 0 : i32
      %dma_wait3A_120 = arith.constant 0 : i32
      %dma_wait3A_121 = tpu.memref_slice %arg8[%run_scoped3A, %dma_wait3A_119, %dma_wait3A_120] : memref<4x200x128xf32, #tpu.memory_space<vmem>> -> memref<1x200x128xf32, #tpu.memory_space<vmem>>
      %dma_wait3A_122 = tpu.memref_squeeze %dma_wait3A_121 : memref<1x200x128xf32, #tpu.memory_space<vmem>> -> memref<200x128xf32, #tpu.memory_space<vmem>>
      %dma_wait3A_123 = arith.constant 0 : i32
      %dma_wait3A_124 = arith.constant 0 : i32
      %dma_wait3A_125 = tpu.memref_slice %dma_wait3A_122[%dma_wait3A_123, %dma_wait3A_124] : memref<200x128xf32, #tpu.memory_space<vmem>> -> memref<320x128xf32, #tpu.memory_space<vmem>>
      %dma_wait3A_126 = arith.constant 0 : i32
      %dma_wait3A_127 = tpu.memref_slice %arg6[%mul3A_67, %dma_wait3A_126] : memref<10240x128xf32, #tpu.memory_space<hbm>> -> memref<320x128xf32, #tpu.memory_space<hbm>>
      %dma_wait3A_128 = arith.constant 0 : i32
      %dma_wait3A_129 = tpu.memref_slice %arg6[%mul3A_67, %dma_wait3A_128] : memref<10240x128xf32, #tpu.memory_space<hbm>> -> memref<320x128xf32, #tpu.memory_space<hbm>>
      %dma_wait3A_130 = arith.constant 0 : i32
      %dma_wait3A_131 = arith.constant 0 : i32
      %dma_wait3A_132 = tpu.memref_slice %arg8[%run_scoped3A, %dma_wait3A_130, %dma_wait3A_131] : memref<4x200x128xf32, #tpu.memory_space<vmem>> -> memref<1x200x128xf32, #tpu.memory_space<vmem>>
      %dma_wait3A_133 = tpu.memref_squeeze %dma_wait3A_132 : memref<1x200x128xf32, #tpu.memory_space<vmem>> -> memref<200x128xf32, #tpu.memory_space<vmem>>
      %dma_wait3A_134 = arith.constant 0 : i32
      %dma_wait3A_135 = arith.constant 0 : i32
      %dma_wait3A_136 = tpu.memref_slice %dma_wait3A_133[%dma_wait3A_134, %dma_wait3A_135] : memref<200x128xf32, #tpu.memory_space<vmem>> -> memref<320x128xf32, #tpu.memory_space<vmem>>
      tpu.wait_dma2 semaphore(%run_scoped3A_100 : memref<!tpu.dma_semaphore, #tpu.memory_space<semaphore_mem>>) src(%dma_wait3A_136 : memref<320x128xf32, #tpu.memory_space<vmem>>) dst(%dma_wait3A_129 : memref<320x128xf32, #tpu.memory_space<hbm>>)
      tpu.yield
    }) : () -> ()
    return
  }
}

</mosaic_0001>

<sc_bundles>
// kernel: _sc_gather.3.cloned.1.call-start
scs
__scs_entry_jumppad:
0x0: {  	(pc) =	sbr.rel $0x88, $3  }
0x1: {  	(tag) =	ssettag $0x0;
	lr =	simm.s32 $0x1  }
0x2: {  	[smem:$0x3F9E] =	sst lr;
	_ =	strace $0xD0000000  }
0x3: {  	_ = 	snop  }
0x4: {  	_ = 	snop  }
0x5: {  	_ = 	snop  }
0x6: {  	_ = 	snop  }
0x7: {  	_ = 	snop  }
__scs_overlays_trampoline_lowered:
0x8: {  	[smem:$0x3FAD] =	sst s0  }
0x9: {  	[smem:$0x3FAE] =	sst s1  }
0xa: {  	[smem:$0x3FAF] =	sst s2  }
0xb: {  	[smem:$0x3FB0] =	sst s3  }
0xc: {  	[smem:$0x3FB1] =	sst s4  }
0xd: {  	[smem:$0x3FB2] =	sst s5  }
0xe: {  	[smem:$0x3FB3] =	sst s6  }
0xf: {  	[smem:$0x3FB4] =	sst s7  }
0x10: {  	[smem:$0x3FB5] =	sst s8  }
0x11: {  	[smem:$0x3FB6] =	sst s9;
	s0 =	simm.s32 @!p0 $0x0  }
0x12: {  	s1 =	sld [smem:$0x3F9C];
	s0 =	simm.s32 @p0 $0x1  }
0x13: {  	[smem:$0x3FB7] =	sst s0;
	s0 =	simm.s32 @!p1 $0x0  }
0x14: {  	s2 =	sld [smem:$0x3F9B];
	s0 =	simm.s32 @p1 $0x1  }
0x15: {  	[smem:$0x3FB8] =	sst s0;
	s0 =	simm.s32 @!p2 $0x0  }
0x16: {  	s3 =	sld [smem:$0x3FDB];
	s0 =	simm.s32 @p2 $0x1  }
0x17: {  	s4 =	simm.s32 $0x1BF5;
	[smem:$0x3FBA] =	sst s0  }
0x18: {  	s0 =	sld [smem:$0x3F9D];
	_ =	swait.ge [sflag:s4], $0x0  }
0x19: {  	s7 =	sld [smem:$0x3F9E]  }
0x1a: {  	s8 =	sadd.s32 $0xFFFFE003, lr  }
0x1b: {  	s9 =	sadd.s32 $0xFFFFFEF7, lr;
	s5 =	simm.s32 $0xFFFFFFFF;
	p2 =	slt.u32 s8, $0xFFFFF086  }
0x1c: {  	p1 =	slt.u32 s9, $0xF7A;
	s5 =	simm.s32 @!p2 $0x0  }
0x1d: {  	s5 =	simm.s32 @p1 $0x1;
	p0 =	seq.s32 s7, s2  }
0x1e: {  	s7 =	smul.u32 @!p0 $0xF7A, s2;
	p2 =	seq.s32 @!p0 s5, $0x0  }
0x1f: {  	s9 =	smul.u32 $0xF7A, s1;
	s8 =	simm.s32 @!p0 $0x1BF5;
	p2 =	por !p2, p0  }
0x20: {  	[sflag:s8] =	ssyncset.s32 @!p0 $0xFFFFF086;
	s6 =	sadd.s32 @!p0 s3, s7;
	s7 =	simm.s32 @!p0 $0x108  }
0x21: {  	s3 =	sadd.s32 s3, s9;
	s6 =	sadd.s32 @!p0 $0x88, s6;
	s7 =	simm.s32 @p2 $0x1082  }
0x22: {  	[simem:s7], [sflag:s8] =	dma.local @!p0 [hbm:s6], $0xF7A  }
0x23: {  	s9 =	sor.u32 $0xD0000000, s2;
	s6 =	simm.s32 $0x108;
	_ =	swait.ge @!p0 [sflag:s8], $0x0  }
0x24: {  	s3 =	sadd.s32 $0x88, s3;
	s6 =	simm.s32 @!p1 $0x1082;
	[sflag:s4] =	ssyncset.s32 $0xFFFFF086  }
0x25: {  	[simem:s6], [sflag:s4] =	dma.local [hbm:s3], $0xF7A  }
0x26: {  	[smem:$0x3F9E] =	sst s1;
	(tag) =	ssettag s2;
	_ =	strace s9  }
0x27: {  	s1 =	sld [smem:$0x3FAE]  }
0x28: {  	s2 =	sld [smem:$0x3FAF]  }
0x29: {  	s4 =	sld [smem:$0x3FB1]  }
0x2a: {  	p0 =	seq.s32 s5, $0x0;
	s5 =	sld [smem:$0x3FB2]  }
0x2b: {  	s6 =	sld [smem:$0x3FB3]  }
0x2c: {  	s7 =	sld [smem:$0x3FB4]  }
0x2d: {  	s3 =	simm.s32 $0x108;
	s8 =	sld [smem:$0x3FB5]  }
0x2e: {  	s3 =	simm.s32 @!p0 $0x1082;
	s9 =	sld [smem:$0x3FB6]  }
0x2f: {  	lr =	sadd.s32 s0, s3;
	s0 =	sld [smem:$0x3FAD]  }
0x30: {  	s3 =	sld [smem:$0x3FB0]  }
0x31: {  	[smem:$0x3FB9] =	sst s10  }
0x32: {  	s10 =	sld [smem:$0x3FB7];
	_ =	sdelay $0x3  }
0x33: {  	p0 =	seq.s32 s10, $0x1;
	s10 =	sld [smem:$0x3FB9];
	_ =	sdelay $0x3  }
0x34: {  	[smem:$0x3FB9] =	sst s10  }
0x35: {  	s10 =	sld [smem:$0x3FB8];
	_ =	sdelay $0x3  }
0x36: {  	p1 =	seq.s32 s10, $0x1;
	s10 =	sld [smem:$0x3FB9];
	_ =	sdelay $0x3  }
0x37: {  	[smem:$0x3FB9] =	sst s10  }
0x38: {  	s10 =	sld [smem:$0x3FBA]  }
0x39: {  	_ = 	snop;
	(pc) =	sbr.ind lr, $3  }
0x3a: {  	_ = 	snop  }
0x3b: {  	_ = 	snop  }
0x3c: {  	p2 =	seq.s32 s10, $0x1;
	s10 =	sld [smem:$0x3FB9]  }
0x3d: {  	_ =	shalt  }
0x3e: {  	_ =	shalt  }
0x3f: {  	_ =	shalt  }
0x40: {  	_ =	shalt  }
0x41: {  	_ =	shalt  }
0x42: {  	_ =	shalt  }
0x43: {  	_ =	shalt  }
0x44: {  	_ =	shalt  }
0x45: {  	_ =	shalt  }
0x46: {  	_ =	shalt  }
0x47: {  	_ =	shalt  }
0x48: {  	_ =	shalt  }
0x49: {  	_ =	shalt  }
0x4a: {  	_ =	shalt  }
0x4b: {  	_ =	shalt  }
0x4c: {  	_ =	shalt  }
0x4d: {  	_ =	shalt  }
0x4e: {  	_ =	shalt  }
0x4f: {  	_ =	shalt  }
0x50: {  	_ =	shalt  }
0x51: {  	_ =	shalt  }
0x52: {  	_ =	shalt  }
0x53: {  	_ =	shalt  }
0x54: {  	_ =	shalt  }
0x55: {  	_ =	shalt  }
0x56: {  	_ =	shalt  }
0x57: {  	_ =	shalt  }
0x58: {  	_ =	shalt  }
0x59: {  	_ =	shalt  }
0x5a: {  	_ =	shalt  }
0x5b: {  	_ =	shalt  }
0x5c: {  	_ =	shalt  }
0x5d: {  	_ =	shalt  }
0x5e: {  	_ =	shalt  }
0x5f: {  	_ =	shalt  }
0x60: {  	_ =	shalt  }
0x61: {  	_ =	shalt  }
0x62: {  	_ =	shalt  }
0x63: {  	_ =	shalt  }
0x64: {  	_ =	shalt  }
0x65: {  	_ =	shalt  }
0x66: {  	_ =	shalt  }
0x67: {  	_ =	shalt  }
0x68: {  	_ =	shalt  }
0x69: {  	_ =	shalt  }
0x6a: {  	_ =	shalt  }
0x6b: {  	_ =	shalt  }
0x6c: {  	_ =	shalt  }
0x6d: {  	_ =	shalt  }
0x6e: {  	_ =	shalt  }
0x6f: {  	_ =	shalt  }
0x70: {  	_ =	shalt  }
0x71: {  	_ =	shalt  }
0x72: {  	_ =	shalt  }
0x73: {  	_ =	shalt  }
0x74: {  	_ =	shalt  }
0x75: {  	_ =	shalt  }
0x76: {  	_ =	shalt  }
0x77: {  	_ =	shalt  }
0x78: {  	_ =	shalt  }
0x79: {  	_ =	shalt  }
0x7a: {  	_ =	shalt  }
0x7b: {  	_ =	shalt  }
0x7c: {  	_ =	shalt  }
0x7d: {  	_ =	shalt  }
0x7e: {  	_ =	shalt  }
0x7f: {  	_ =	shalt  }
0x80: {  	_ =	shalt  }
0x81: {  	_ =	shalt  }
0x82: {  	_ =	shalt  }
0x83: {  	_ =	shalt  }
0x84: {  	_ =	shalt  }
0x85: {  	_ =	shalt  }
0x86: {  	_ =	shalt  }
0x87: {  	_ =	shalt  }
.Lfunc_end0:
.L_simem_size_0:
called_computation_lowered:
.L_overlay_start_0:
0x88: {  	s2 =	sld [smem:$0x3FD9]  }
0x89: {  	s3 =	sld [smem:$0x3FFE];
	_ =	sdelay $0x1  }
0x8a: {  	s1 =	srdreg.scid  }
0x8b: {  	s0 =	sand.u32 $0x1, s1  }
0x8c: {  	s15 =	sshll.u32 s0, $0xA;
	s2 =	sadd.s32 s3, s2  }
0x8d: {  	s2 =	sadd.s32 s2, s15  }
0x8e: {  	[smem:$0x3FC5] =	sst s2  }
0x8f: {  	_ = 	snop  }
0x90: {  	s2 =	sld [smem:$0x3FD0]  }
0x91: {  	s16 =	sld [smem:$0x3FC9]  }
0x92: {  	s4 =	sld [smem:$0x3FC8]  }
0x93: {  	s6 =	simm.s32 $0xA;
	s7 =	simm.s32 $0x10;
	s5 =	sld [smem:$0x3FC7]  }
0x94: {  	[smem:s7], [sflag:s6] =	dma.local [hbm:s2], $0x1  }
0x95: {  	_ =	swait.eq [sflag:s6], $0x1  }
0x96: {  	[sflag:s6] =	ssyncset.done $0x0  }
0x97: {  	s17 =	sld [smem:$0x10];
	[sflag:s6] =	ssyncadd.s32 $0xFFFFFFFF  }
0x98: {  	s18 =	sld [smem:$0x11];
	(tm) =	ssettm $0x1  }
0x99: {  	s19 =	sld [smem:$0x3FFB];
	_ =	sdelay $0x3  }
0x9a: {  	_ =	strace s19  }
0x9b: {  	s7 =	sld [smem:$0x3FFC];
	_ =	sdelay $0x3  }
0x9c: {  	_ =	strace s7  }
0x9d: {  	s7 =	sld [smem:$0x3FFD];
	_ =	sdelay $0x3  }
0x9e: {  	_ =	strace s7  }
0x9f: {  	_ =	strace $0x8FFFFFFF  }
0xa0: {  	s20 =	sld [smem:$0x3FDB];
	_ =	sdelay $0x1  }
0xa1: {  	s8 =	simm.s32 $_scs_section_size  }
0xa2: {  	s9 =	simm.s32 $_size__tile_overlayer_lowered;
	s10 =	simm.s32 $_tile_overlayer_lowered  }
0xa3: {  	s23 =	simm.s32 $0x1BFF;
	s22 =	sshll.u32 s10, $0x1;
	s7 =	sadd.s32 s8, s20  }
0xa4: {  	s11 =	simm.s32 $0x0;
	s21 =	sshll.u32 s9, $0x1;
	s9 =	sadd.s32 s22, s7  }
0xa5: {  	[timem:s11], [sflag:s23] =	dma.local [hbm:s9], s21  }
0xa6: {  	_ =	swait.ge [sflag:s23], s21  }
0xa7: {  	s8 =	ssub.s32 $0x0, s21;
	[sflag:s23] =	ssyncset.done $0x0  }
0xa8: {  	[sflag:s23] =	ssyncadd.s32 s8;
	_ =	sdelay $0x1  }
0xa9: {  	s24 =	simm.s32 $0x1B8B  }
0xaa: {  	_ =	swait.ge [sflag:s24], $0x1  }
0xab: {  	[sflag:s24] =	ssyncset.done $0x0  }
0xac: {  	s25 =	simm.s32 $0x1B8E;
	[sflag:s24] =	ssyncadd.s32 $0xFFFFFFFF  }
0xad: {  	s26 =	simm.s32 $execute0_lowered;
	[smem:$0x3FD2] =	sst s25  }
0xae: {  	s8 =	sshll.u32 s26, $0x1;
	_ =	strace $0x80000046;
	[dreg:$0x1] =	wrdreg $0xFFFFFFFF  }
0xaf: {  	s28 =	simm.s32 $_size_execute0_lowered;
	s7 =	sadd.s32 s7, s8;
	[dreg:$0x0] =	wrdreg $0x0  }
0xb0: {  	s8 =	sshll.u32 s28, $0x1;
	[dreg:$0x2] =	wrdreg s7  }
0xb1: {  	[dreg:$0x3] =	wrdreg s8  }
0xb2: {  	[dreg:$0x4] =	wrdreg $0xC0  }
0xb3: {  	_ =	task [dreg:s11], $0x5FFFF  }
0xb4: {  	[dreg:$0x1] =	wrdreg $0xFFFFFFFF  }
0xb5: {  	[dreg:$0x0] =	wrdreg $0x60  }
0xb6: {  	[dreg:$0x2] =	wrdreg s16  }
0xb7: {  	[dreg:$0x3] =	wrdreg s4  }
0xb8: {  	[dreg:$0x4] =	wrdreg s5  }
0xb9: {  	[dreg:$0x5] =	wrdreg s17  }
0xba: {  	[dreg:$0x6] =	wrdreg s18  }
0xbb: {  	[dreg:$0x7] =	wrdreg $0x9  }
0xbc: {  	_ =	task.clear_ibuf [dreg:s11], $0x8FFFF;
	_ =	strace $0x90000046  }
0xbd: {  	s29 =	simm.s32 $0x9;
	_ =	strace $0x80000048  }
0xbe: {  	_ =	swait.ge [sflag:s29], $0x1  }
0xbf: {  	[sflag:s29] =	ssyncadd.s32 $0xFFFFFFFF  }
0xc0: {  	_ =	strace $0x90000048  }
0xc1: {  	_ =	sfence  }
0xc2: {  	s30 =	sld [smem:$0x0];
	_ =	sdelay $0x2  }
0xc3: {  	s31 =	sshll.u32 s1, $0xD;
	s1 =	sshrl.u32 s1, $0x2  }
0xc4: {  	s3 =	sand.u32 $0x4000, s31;
	s1 =	sadd.s32 s1, s30  }
0xc5: {  	s0 =	sor.u32 s3, s0;
	s1 =	sshll.u32 s1, $0x11  }
0xc6: {  	s0 =	sor.u32 s1, s0  }
0xc7: {  	s0 =	sadd.s32 $0x8F2B, s0  }
0xc8: {  	[sflag:s0] =	ssyncadd.remote.s32 $0x1  }
0xc9: {  	_ =	sfence.sel $0xFFFF  }
0xca: {  	[dreg:$0x0] =	wrdreg $0xFFFFFFFF;
	(pc) =	sbr.abs _section_cstart, $3  }
0xcb: {  	[dreg:$0x1] =	wrdreg $0xFFFFFFFF  }
0xcc: {  	_ =	task.clear_ibuf [dreg:s11], $0x2FFFF;
	_ =	strace $0x9FFFFFFF  }
0xcd: {  	(tm) =	ssettm $0x7FFFFFFF  }
tec
execute0_lowered:
.L_overlay_start_1:
0x0: {  	(tag) =	ssettag $0x1  }
0x1: {  	s0 =	rddreg [dreg:$0x0]  }
0x2: {  	s2 =	rddreg [dreg:$0x1]  }
0x3: {  	s1 =	rddreg [dreg:$0x2]  }
0x4: {  	s3 =	srdreg.scid;
	s8 =	rddreg [dreg:$0x3]  }
0x5: {  	s14 =	stileid.u32;
	s7 =	rddreg [dreg:$0x4];
	s15 =	simm.s32 $0x1  }
0x6: {  	s18 =	simm.s32 $0x2;
	s19 =	simm.s32 $0x258;
	s20 =	simm.s32 $0x15380  }
0x7: {  	s21 =	simm.s32 $0x5;
	s22 =	simm.s32 $0x6;
	s23 =	simm.s32 $0x140  }
0x8: {  	s6 =	sand.u32 $0x1, s3;
	s26 =	sshll.u32 s14, $0x1;
	s29 =	smul.u32 $0x4E200, s14  }
0x9: {  	s24 =	simm.s32 $0x0;
	s4 =	sor.u32 s6, s26;
	s30 =	smul.u32 $0x27100, s6  }
0xa: {  	s3 =	simm.s32 $0x0;
	s14 =	simm.s32 $0x8B80;
	s5 =	smul.u32 $0x2710, s4  }
0xb: {  	[smem:$0x7FF] =	sst s3;
	s10 =	ssub.s32 $0x2, s6;
	s9 =	smul.u32 $0x28, s4  }
0xc: {  	s11 =	smul.u32 $0x1400, s4;
	_ =	strace $0x80000047;
	s12 =	sshrl.u32 s10, $0x1  }
0xd: {  	s13 =	smul.u32 $0x27100, s4;
	s31 =	sadd.s32 s29, s8;
	s10 =	ssub.s32 s10, s12  }
0xe: {  	s12 =	simm.s32 $0xC8;
	s28 =	sshrl.u32 s5, $0x3;
	s5 =	sadd.s32 s2, s9  }
0xf: {  	s6 =	sadd.s32 s7, s11;
	s7 =	sadd.s32 s8, s13;
	s8 =	smax.u32 s10, $0x1  }
0x10: {  	s11 =	simm.s32 $0x9;
	s4 =	sadd.s32 s0, s28;
	s0 =	sadd.s32 s30, s31  }
0x11: {  	s13 =	simm.s32 $0x2780;
	s9 =	sadd.s32 $0xC80, s7;
	s10 =	sadd.s32 $0x1900, s0  }
.LBB2_1:
0x12: {  	[tilespmem:s3], [sflag:$0x9] =	stream.linear.gather [hbm4b:s4+s3], $0x2710, $0x38;
	[tilespmem:$0x1B780] =	vst v63  }
0x13: {  	_ =	swait.ge [sflag:s11], $0x2710  }
0x14: {  	[sflag:s11] =	ssyncset.done $0x0  }
0x15: {  	[sflag:s11] =	ssyncadd.s32 $0xFFFFD8F0  }
0x16: {  	[tilespmem:s13], [sflag:$0x1] =	stream.indirect.gather [hbm4b:s1+s12], $0x80, s3, s12, $0xb8;
	[tilespmem:$0x1B780] =	vst v63  }
0x17: {  	_ = 	snop  }
0x18: {  	[tilespmem:s14], [sflag:$0x2] =	stream.indirect.gather [hbm4b:s1+s12], $0x80, s12, s12, $0xb8;
	[tilespmem:$0x1B780] =	vst v63  }
0x19: {  	_ =	swait.ge [sflag:s15], $0x6400  }
0x1a: {  	[sflag:s15] =	ssyncset.done $0x0  }
0x1b: {  	[sflag:s15] =	ssyncadd.s32 $0xFFFF9C00  }
0x1c: {  	[hbm4b:s7+s3] =	stream.linear.scatter [tilespmem:s13], [sflag:$0x5], $0x6400, $0x38;
	[tilespmem:$0x1B780] =	vst v63  }
0x1d: {  	s0 =	simm.s32 $0x190;
	s2 =	simm.s32 $0xEF80;
	s16 =	simm.s32 $0x2  }
0x1e: {  	[tilespmem:s2], [sflag:$0x3] =	stream.indirect.gather [hbm4b:s1+s12], $0x80, s0, s12, $0xb8;
	[tilespmem:$0x1B780] =	vst v63  }
0x1f: {  	s25 =	simm.s32 $0x320;
	p0 =	por $0x0, $0x0;
	_ =	swait.ge [sflag:s18], $0x6400  }
0x20: {  	s29 =	simm.s32 $0x320;
	s0 =	sand.u32 $0x3, s16;
	[sflag:s18] =	ssyncset.done $0x0  }
0x21: {  	s2 =	simm.s32 $0x4;
	s26 =	sadd.s32 $0x1, s0;
	[sflag:s18] =	ssyncadd.s32 $0xFFFF9C00  }
0x22: {  	[hbm4b:s9+s3] =	stream.linear.scatter [tilespmem:s14], [sflag:$0x6], $0x6400, $0x38;
	[tilespmem:$0x1B780] =	vst v63  }
0x23: {  	s28 =	smul.u32 $0x19000, s0;
	s0 =	sadd.s32 $0x5, s0;
	s2 =	sand.u32 @!p0 $0x3, s2  }
0x24: {  	[tilespmem:s20], [sflag:$0x4] =	stream.indirect.gather [hbm4b:s1+s12], $0x80, s19, s12, $0xb8;
	[tilespmem:$0x1B780] =	vst v63  }
0x25: {  	s30 =	sadd.s32 @!p0 $0x5, s2;
	s28 =	sshrl.u32 s28, $0x2;
	_ =	swait.ge [sflag:s26], $0x6400  }
0x26: {  	s31 =	sadd.s32 @!p0 $0x1, s2;
	s17 =	sadd.s32 $0x2780, s28;
	[sflag:s26] =	ssyncset.done $0x0  }
0x27: {  	s28 =	smul.u32 @!p0 $0x19000, s2;
	[sflag:s26] =	ssyncadd.s32 $0xFFFF9C00;
	s26 =	simm.s32 $0x5  }
0x28: {  	[hbm4b:s10+s3] =	stream.linear.scatter [tilespmem:s17], [sflag:s0], $0x6400, $0x38;
	[tilespmem:$0x1B780] =	vst v63  }
0x29: {  	s0 =	sshrl.u32 @!p0 s28, $0x2;
	s28 =	sadd.s32 $0xC80, s10;
	_ =	swait.ge @!p0 [sflag:s30], $0x6400  }
0x2a: {  	s2 =	sadd.s32 @!p0 $0x2780, s0;
	s0 =	simm.s32 @!p0 $0xC8;
	[sflag:s30] =	ssyncset.done @!p0 $0x0  }
.LBB2_2:
0x2b: {  	[sflag:s30] =	ssyncadd.s32 @!p0 $0xFFFF9C00  }
0x2c: {  	s25 =	sadd.s32 $0xC8, s25;
	s30 =	smov.u32 s26;
	s26 =	sadd.s32 $0x1, s26  }
0x2d: {  	[tilespmem:s2], [sflag:s31] =	stream.indirect.gather @!p0 [hbm4b:s1+s0], $0x80, s29, s0, $0xb8;
	[tilespmem:$0x1B780] =	vst v63  }
0x2e: {  	s0 =	sadd.s32 $0xFFFFFFFE, s30  }
0x2f: {  	p1 =	sne.s32 s26, $0x34;
	s29 =	smov.u32 s25;
	s2 =	sand.u32 $0x3, s0  }
0x30: {  	s16 =	smul.u32 $0x19000, s2  }
0x31: {  	s31 =	sadd.s32 $0x1, s2  }
0x32: {  	s2 =	sadd.s32 $0x5, s2;
	_ =	swait.ge [sflag:s31], $0x6400;
	s16 =	sshrl.u32 s16, $0x2  }
0x33: {  	p0 =	sgt.u32 s0, $0x2F;
	[sflag:s31] =	ssyncset.done $0x0;
	s0 =	sadd.s32 $0x2780, s16  }
.Ltmp0:
0x34: {  	s16 =	sand.u32 @!p0 $0x3, s30;
	[sflag:s31] =	ssyncadd.s32 $0xFFFF9C00;
	(pc) =	sbr.rel @p1 .LBB2_2-.Ltmp0, $4  }
0x35: {  	s30 =	sadd.s32 @!p0 $0x5, s16;
	s17 =	smul.u32 @!p0 $0x19000, s16;
	s31 =	sadd.s32 @!p0 $0x1, s16  }
0x36: {  	[hbm4b:s28+s3] =	stream.linear.scatter [tilespmem:s0], [sflag:s2], $0x6400, $0x38;
	[tilespmem:$0x1B780] =	vst v63  }
0x37: {  	s0 =	sshrl.u32 @!p0 s17, $0x2;
	s28 =	sadd.s32 $0xC80, s28;
	_ =	swait.ge @!p0 [sflag:s30], $0x6400  }
0x38: {  	s2 =	sadd.s32 @!p0 $0x2780, s0;
	s0 =	simm.s32 @!p0 $0xC8;
	[sflag:s30] =	ssyncset.done @!p0 $0x0  }
0x39: {  	[sflag:s30] =	ssyncadd.s32 @!p0 $0xFFFF9C00  }
0x3a: {  	[tilespmem:s2], [sflag:s31] =	stream.indirect.gather @!p0 [hbm4b:s1+s0], $0x80, s29, s0, $0xb8;
	[tilespmem:$0x1B780] =	vst v63  }
0x3b: {  	_ =	swait.ge [sflag:s21], $0x6400  }
0x3c: {  	[sflag:s21] =	ssyncset.done $0x0  }
0x3d: {  	[sflag:s21] =	ssyncadd.s32 $0xFFFF9C00  }
0x3e: {  	_ =	swait.ge [sflag:s22], $0x6400  }
0x3f: {  	[sflag:s22] =	ssyncset.done $0x0  }
0x40: {  	[sflag:s22] =	ssyncadd.s32 $0xFFFF9C00  }
0x41: {  	[tilespmem:s3], [sflag:$0x9] =	stream.linear.gather [hbm4b:s5+s3], $0x140, $0x38;
	[tilespmem:$0x1B780] =	vst v63  }
0x42: {  	_ =	swait.ge [sflag:s11], $0x140  }
0x43: {  	[sflag:s11] =	ssyncset.done $0x0  }
0x44: {  	[sflag:s11] =	ssyncadd.s32 $0xFFFFFEC0  }
0x45: {  	[tilespmem:s13], [sflag:$0x1] =	stream.indirect.gather [hbm4b:s1+s23], $0x80, s3, s23, $0xb8;
	[tilespmem:$0x1B780] =	vst v63  }
0x46: {  	s24 =	sadd.s32 $0x1, s24;
	_ =	swait.ge [sflag:s15], $0xA000  }
0x47: {  	p0 =	sne.s32 s24, s8;
	[sflag:s15] =	ssyncset.done $0x0  }
.Ltmp1:
0x48: {  	[sflag:s15] =	ssyncadd.s32 $0xFFFF6000;
	(pc) =	sbr.rel @p0 .LBB2_1-.Ltmp1, $4  }
0x49: {  	[hbm4b:s6+s3] =	stream.linear.scatter [tilespmem:s13], [sflag:$0x9], $0xA000, $0x38;
	[tilespmem:$0x1B780] =	vst v63  }
0x4a: {  	_ =	swait.ge [sflag:s11], $0xA000  }
0x4b: {  	[sflag:s11] =	ssyncset.done $0x0  }
0x4c: {  	[sflag:s11] =	ssyncadd.s32 $0xFFFF6000  }
0x4d: {  	_ =	sfence.sel $0x180000  }
0x4e: {  	[bflag:$0x0] =	sbarrier.arrive $0xFFFF  }
0x4f: {  	_ =	strace $0x90000047  }
0x50: {  	s0 =	stileid.u32;
	[bflag:$0x2] =	sbarrier.arrive $0xFFFF  }
0x51: {  	p0 =	sne.s32 s0, $0x0;
	s0 =	rddreg [dreg:$0x5]  }
0x52: {  	s0 =	sadd.s32 @!p0 $0x100000, s0  }
0x53: {  	[sflag:s0] =	ssyncadd.tile.s32 @!p0 $0x1;
	_ =	shalt  }
.Lfunc_end2:
_tile_overlayer_lowered:
.L_overlay_start_2:
0x54: {  	(tag) =	ssettag $0x2  }
0x55: {  	s0 =	rddreg [dreg:$0x0];
	s2 =	stileid.u32  }
0x56: {  	s1 =	rddreg [dreg:$0x1];
	p0 =	sne.s32 s2, $0x0  }
0x57: {  	s3 =	rddreg [dreg:$0x2];
	[bflag:$0x3] =	sbarrier.arrive $0xFFFF;
	s2 =	simm.s32 @!p0 $0x1C09  }
0x58: {  	[timem:s3], [sflag:s2] =	dma.local @!p0 [hbm:s0], s1  }
0x59: {  	s0 =	simm.s32 @!p0 $0x9  }
0x5a: {  	_ =	swait.ge @!p0 [sflag:s0], s1  }
0x5b: {  	s1 =	ssub.s32 @!p0 $0x0, s1;
	[sflag:s0] =	ssyncset.done @!p0 $0x0  }
0x5c: {  	[sflag:s0] =	ssyncadd.s32 @!p0 s1  }
0x5d: {  	[bflag:$0x3] =	sbarrier.arrive $0xFFFF  }
0x5e: {  	_ =	shalt  }

</sc_bundles>
